<compile_context>
chip_gen: v7x
topology: tpu7x:2x2x1
jax: 0.10.2.dev20260603
libtpu: 0.0.44.dev20260713+nightly
codegen_flags: <defaults>
</compile_context>

<pallas_src>
import functools
import jax
import jax.numpy as jnp
from jax import lax
from jax.experimental import pallas as pl
from jax.experimental.pallas import tpu as pltpu
from jax.experimental.pallas import tpu_sc as plsc

_L = 16


def _make_sc_add(B, T, D):
    info = plsc.get_sparse_core_info()
    NC, NS = info.num_cores, info.num_subcores
    NW = NC * NS
    rows = B * T
    rows_per_w = rows // NW
    chunk_rows = 64
    n_chunks = rows_per_w // chunk_rows
    CH = chunk_rows * D
    n_vec = CH // _L

    mesh = plsc.VectorSubcoreMesh(core_axis_name="c", subcore_axis_name="s")

    @functools.partial(
        pl.kernel,
        mesh=mesh,
        out_type=jax.ShapeDtypeStruct((rows * D,), jnp.float32),
        scratch_types=[
            pltpu.VMEM((CH,), jnp.float32),
            pltpu.VMEM((CH,), jnp.float32),
        ],
    )
    def sc_add(x_hbm, pos_hbm, out_hbm, xv, pv):
        wid = lax.axis_index("s") * NC + lax.axis_index("c")
        row0 = wid * rows_per_w
        prow0 = lax.rem(row0, T)

        def chunk_body(c, _):
            xoff = (row0 + c * chunk_rows) * D
            poff = (prow0 + c * chunk_rows) * D
            pltpu.sync_copy(x_hbm.at[pl.ds(xoff, CH)], xv)
            pltpu.sync_copy(pos_hbm.at[pl.ds(poff, CH)], pv)

            U = 16

            def vec_body(i, _):
                base = i * (_L * U)
                for j in range(U):
                    sl = pl.ds(base + j * _L, _L)
                    xv[sl] = xv[sl] + pv[sl]
                return ()

            lax.fori_loop(0, n_vec // U, vec_body, ())
            pltpu.sync_copy(xv, out_hbm.at[pl.ds(xoff, CH)])
            return ()

        lax.fori_loop(0, n_chunks, chunk_body, ())

    return sc_add


def kernel(x, pos_table):
    T, D = pos_table.shape
    xr = x.reshape(-1, T, D)
    B = xr.shape[0]
    sc_add = _make_sc_add(B, T, D)
    out = sc_add(xr.reshape(-1), pos_table.reshape(-1))
    return out.reshape(B, T, D)

# --- scband reference (transcript-rebuilt; emitter-appended) ---
"""Pipeline reference for scband-token-and-position-embedding-32865089749484 (READ-ONLY COPY).

The authoritative reference and input builder live on the scoring server;
editing this copy changes nothing except your own understanding.
"""

import jax, jax.numpy as jnp
import numpy as np

MAXLEN = 2048
EMBED_DIM = 768
BATCH = 4

def setup_inputs(seed: int = 0) -> dict:
    key = jax.random.key(seed)
    k1, k2 = jax.random.split(key)
    x = jax.random.normal(k1, (BATCH, MAXLEN, EMBED_DIM), dtype=jnp.float32)
    # learned positional embedding table per init_kwargs (input_dim=maxlen, output_dim=embed_dim)
    pos_table = jax.random.normal(k2, (MAXLEN, EMBED_DIM), dtype=jnp.float32) * 0.02
    return {"x": x, "pos_table": pos_table}

def reference(x, pos_table):
    # positions = tf.range(0, maxlen)
    positions = jnp.arange(MAXLEN)
    # self.pos_emb(positions) -> embedding gather
    pos = jnp.take(pos_table, positions, axis=0)
    # x = tf.reshape(x, [-1, maxlen, embed_dim])
    xr = jnp.reshape(x, (-1, MAXLEN, EMBED_DIM))
    # out = x + positions (broadcast over batch)
    out = xr + pos[None, :, :]
    return out

if __name__ == "__main__":
    import jax
    _d = setup_inputs()
    print(jax.jit(kernel)(*tuple(_d.values())))

</pallas_src>

<mosaic_0001>
#map = affine_map<(d0, d1) -> (0)>
module attributes {stable_mosaic.version = 14 : i64} {
  func.func @sc_add(%arg0: i32, %arg1: i32, %arg2: memref<6291456xf32, #tpu.memory_space<hbm>>, %arg3: memref<1572864xf32, #tpu.memory_space<hbm>>, %arg4: memref<6291456xf32, #tpu.memory_space<hbm>>, %arg5: memref<49152xf32, #tpu.memory_space<vmem>>, %arg6: memref<49152xf32, #tpu.memory_space<vmem>>) attributes {dimension_semantics = [#tpu.dimension_semantics<core_parallel>, #tpu.dimension_semantics<subcore_parallel>], iteration_bounds = array<i64: 2, 16>, scalar_prefetch = 0 : i64, scratch_operands = 2 : i64, tpu.core_type = #tpu.core_type<sc_vector_subcore>, window_params = [{transform_indices = #map}, {transform_indices = #map}, {transform_indices = #map}]} {
    %mul3A = arith.constant 2 : i32
    %mul3A_0 = arith.muli %arg1, %mul3A : i32
    %add3A = arith.addi %mul3A_0, %arg0 : i32
    %mul3A_1 = arith.constant 256 : i32
    %mul3A_2 = arith.muli %add3A, %mul3A_1 : i32
    %rem3A = arith.constant 2048 : i32
    %rem3A_3 = arith.remsi %mul3A_2, %rem3A : i32
    %scan3A = arith.constant 0 : i32
    %scan3A_4 = arith.constant 4 : i32
    %scan3A_5 = arith.addi %scan3A, %scan3A_4 : i32
    %scan3A_6 = arith.constant 1 : i32
    scf.for %scan3A_8 = %scan3A to %scan3A_5 step %scan3A_6  : i32 {
      %mul3A_9 = arith.constant 64 : i32
      %mul3A_10 = arith.muli %scan3A_8, %mul3A_9 : i32
      %add3A_11 = arith.addi %mul3A_2, %mul3A_10 : i32
      %mul3A_12 = arith.constant 768 : i32
      %mul3A_13 = arith.muli %add3A_11, %mul3A_12 : i32
      %mul3A_14 = arith.constant 64 : i32
      %mul3A_15 = arith.muli %scan3A_8, %mul3A_14 : i32
      %add3A_16 = arith.addi %rem3A_3, %mul3A_15 : i32
      %mul3A_17 = arith.constant 768 : i32
      %mul3A_18 = arith.muli %add3A_16, %mul3A_17 : i32
      "tpu.region"() ({
        %run_scoped3A = tpu.sem_alloc : memref<!tpu.dma_semaphore, #tpu.memory_space<semaphore_mem>>
        %dma_start3A = tpu.memref_slice %arg2[%mul3A_13] : memref<6291456xf32, #tpu.memory_space<hbm>> -> memref<49152xf32, #tpu.memory_space<hbm>>
        %dma_start3A_24 = tpu.memref_slice %arg2[%mul3A_13] : memref<6291456xf32, #tpu.memory_space<hbm>> -> memref<49152xf32, #tpu.memory_space<hbm>>
        tpu.enqueue_dma source(%dma_start3A_24 : memref<49152xf32, #tpu.memory_space<hbm>>) target(%arg5 : memref<49152xf32, #tpu.memory_space<vmem>>) target_semaphore(%run_scoped3A : memref<!tpu.dma_semaphore, #tpu.memory_space<semaphore_mem>>)
        %dma_wait3A = tpu.memref_slice %arg2[%mul3A_13] : memref<6291456xf32, #tpu.memory_space<hbm>> -> memref<49152xf32, #tpu.memory_space<hbm>>
        %dma_wait3A_25 = tpu.memref_slice %arg2[%mul3A_13] : memref<6291456xf32, #tpu.memory_space<hbm>> -> memref<49152xf32, #tpu.memory_space<hbm>>
        tpu.wait_dma2 semaphore(%run_scoped3A : memref<!tpu.dma_semaphore, #tpu.memory_space<semaphore_mem>>) src(%dma_wait3A_25 : memref<49152xf32, #tpu.memory_space<hbm>>) dst(%arg5 : memref<49152xf32, #tpu.memory_space<vmem>>)
        tpu.yield
      }) : () -> ()
      "tpu.region"() ({
        %run_scoped3A = tpu.sem_alloc : memref<!tpu.dma_semaphore, #tpu.memory_space<semaphore_mem>>
        %dma_start3A = tpu.memref_slice %arg3[%mul3A_18] : memref<1572864xf32, #tpu.memory_space<hbm>> -> memref<49152xf32, #tpu.memory_space<hbm>>
        %dma_start3A_24 = tpu.memref_slice %arg3[%mul3A_18] : memref<1572864xf32, #tpu.memory_space<hbm>> -> memref<49152xf32, #tpu.memory_space<hbm>>
        tpu.enqueue_dma source(%dma_start3A_24 : memref<49152xf32, #tpu.memory_space<hbm>>) target(%arg6 : memref<49152xf32, #tpu.memory_space<vmem>>) target_semaphore(%run_scoped3A : memref<!tpu.dma_semaphore, #tpu.memory_space<semaphore_mem>>)
        %dma_wait3A = tpu.memref_slice %arg3[%mul3A_18] : memref<1572864xf32, #tpu.memory_space<hbm>> -> memref<49152xf32, #tpu.memory_space<hbm>>
        %dma_wait3A_25 = tpu.memref_slice %arg3[%mul3A_18] : memref<1572864xf32, #tpu.memory_space<hbm>> -> memref<49152xf32, #tpu.memory_space<hbm>>
        tpu.wait_dma2 semaphore(%run_scoped3A : memref<!tpu.dma_semaphore, #tpu.memory_space<semaphore_mem>>) src(%dma_wait3A_25 : memref<49152xf32, #tpu.memory_space<hbm>>) dst(%arg6 : memref<49152xf32, #tpu.memory_space<vmem>>)
        tpu.yield
      }) : () -> ()
      %scan3A_19 = arith.constant 0 : i32
      %scan3A_20 = arith.constant 192 : i32
      %scan3A_21 = arith.addi %scan3A_19, %scan3A_20 : i32
      %scan3A_22 = arith.constant 1 : i32
      scf.for %scan3A_24 = %scan3A_19 to %scan3A_21 step %scan3A_22  : i32 {
        %mul3A_25 = arith.constant 256 : i32
        %mul3A_26 = arith.muli %scan3A_24, %mul3A_25 : i32
        %add3A_27 = arith.constant 0 : i32
        %add3A_28 = arith.addi %mul3A_26, %add3A_27 : i32
        %get3A = arith.index_cast %add3A_28 : i32 to index
        %get3A_29 = tpu.vector_load %arg5[%get3A] {strides = array<i32>} : memref<49152xf32, #tpu.memory_space<vmem>>, vector<16xf32>,
        %get3A_30 = vector.shape_cast %get3A_29 : vector<16xf32> to vector<16xf32>
        %get3A_31 = arith.index_cast %add3A_28 : i32 to index
        %get3A_32 = tpu.vector_load %arg6[%get3A_31] {strides = array<i32>} : memref<49152xf32, #tpu.memory_space<vmem>>, vector<16xf32>,
        %get3A_33 = vector.shape_cast %get3A_32 : vector<16xf32> to vector<16xf32>
        %add3A_34 = arith.addf %get3A_30, %get3A_33 : vector<16xf32>
        %swap3A = arith.index_cast %add3A_28 : i32 to index
        %swap3A_35 = tpu.vector_load %arg5[%swap3A] {strides = array<i32>} : memref<49152xf32, #tpu.memory_space<vmem>>, vector<16xf32>,
        %swap3A_36 = vector.shape_cast %swap3A_35 : vector<16xf32> to vector<16xf32>
        %swap3A_37 = vector.shape_cast %add3A_34 : vector<16xf32> to vector<16xf32>
        tpu.vector_store %arg5[%swap3A], %swap3A_37 {strides = array<i32>} : memref<49152xf32, #tpu.memory_space<vmem>>, vector<16xf32>,
        %add3A_38 = arith.constant 16 : i32
        %add3A_39 = arith.addi %mul3A_26, %add3A_38 : i32
        %get3A_40 = arith.index_cast %add3A_39 : i32 to index
        %get3A_41 = tpu.vector_load %arg5[%get3A_40] {strides = array<i32>} : memref<49152xf32, #tpu.memory_space<vmem>>, vector<16xf32>,
        %get3A_42 = vector.shape_cast %get3A_41 : vector<16xf32> to vector<16xf32>
        %get3A_43 = arith.index_cast %add3A_39 : i32 to index
        %get3A_44 = tpu.vector_load %arg6[%get3A_43] {strides = array<i32>} : memref<49152xf32, #tpu.memory_space<vmem>>, vector<16xf32>,
        %get3A_45 = vector.shape_cast %get3A_44 : vector<16xf32> to vector<16xf32>
        %add3A_46 = arith.addf %get3A_42, %get3A_45 : vector<16xf32>
        %swap3A_47 = arith.index_cast %add3A_39 : i32 to index
        %swap3A_48 = tpu.vector_load %arg5[%swap3A_47] {strides = array<i32>} : memref<49152xf32, #tpu.memory_space<vmem>>, vector<16xf32>,
        %swap3A_49 = vector.shape_cast %swap3A_48 : vector<16xf32> to vector<16xf32>
        %swap3A_50 = vector.shape_cast %add3A_46 : vector<16xf32> to vector<16xf32>
        tpu.vector_store %arg5[%swap3A_47], %swap3A_50 {strides = array<i32>} : memref<49152xf32, #tpu.memory_space<vmem>>, vector<16xf32>,
        %add3A_51 = arith.constant 32 : i32
        %add3A_52 = arith.addi %mul3A_26, %add3A_51 : i32
        %get3A_53 = arith.index_cast %add3A_52 : i32 to index
        %get3A_54 = tpu.vector_load %arg5[%get3A_53] {strides = array<i32>} : memref<49152xf32, #tpu.memory_space<vmem>>, vector<16xf32>,
        %get3A_55 = vector.shape_cast %get3A_54 : vector<16xf32> to vector<16xf32>
        %get3A_56 = arith.index_cast %add3A_52 : i32 to index
        %get3A_57 = tpu.vector_load %arg6[%get3A_56] {strides = array<i32>} : memref<49152xf32, #tpu.memory_space<vmem>>, vector<16xf32>,
        %get3A_58 = vector.shape_cast %get3A_57 : vector<16xf32> to vector<16xf32>
        %add3A_59 = arith.addf %get3A_55, %get3A_58 : vector<16xf32>
        %swap3A_60 = arith.index_cast %add3A_52 : i32 to index
        %swap3A_61 = tpu.vector_load %arg5[%swap3A_60] {strides = array<i32>} : memref<49152xf32, #tpu.memory_space<vmem>>, vector<16xf32>,
        %swap3A_62 = vector.shape_cast %swap3A_61 : vector<16xf32> to vector<16xf32>
        %swap3A_63 = vector.shape_cast %add3A_59 : vector<16xf32> to vector<16xf32>
        tpu.vector_store %arg5[%swap3A_60], %swap3A_63 {strides = array<i32>} : memref<49152xf32, #tpu.memory_space<vmem>>, vector<16xf32>,
        %add3A_64 = arith.constant 48 : i32
        %add3A_65 = arith.addi %mul3A_26, %add3A_64 : i32
        %get3A_66 = arith.index_cast %add3A_65 : i32 to index
        %get3A_67 = tpu.vector_load %arg5[%get3A_66] {strides = array<i32>} : memref<49152xf32, #tpu.memory_space<vmem>>, vector<16xf32>,
        %get3A_68 = vector.shape_cast %get3A_67 : vector<16xf32> to vector<16xf32>
        %get3A_69 = arith.index_cast %add3A_65 : i32 to index
        %get3A_70 = tpu.vector_load %arg6[%get3A_69] {strides = array<i32>} : memref<49152xf32, #tpu.memory_space<vmem>>, vector<16xf32>,
        %get3A_71 = vector.shape_cast %get3A_70 : vector<16xf32> to vector<16xf32>
        %add3A_72 = arith.addf %get3A_68, %get3A_71 : vector<16xf32>
        %swap3A_73 = arith.index_cast %add3A_65 : i32 to index
        %swap3A_74 = tpu.vector_load %arg5[%swap3A_73] {strides = array<i32>} : memref<49152xf32, #tpu.memory_space<vmem>>, vector<16xf32>,
        %swap3A_75 = vector.shape_cast %swap3A_74 : vector<16xf32> to vector<16xf32>
        %swap3A_76 = vector.shape_cast %add3A_72 : vector<16xf32> to vector<16xf32>
        tpu.vector_store %arg5[%swap3A_73], %swap3A_76 {strides = array<i32>} : memref<49152xf32, #tpu.memory_space<vmem>>, vector<16xf32>,
        %add3A_77 = arith.constant 64 : i32
        %add3A_78 = arith.addi %mul3A_26, %add3A_77 : i32
        %get3A_79 = arith.index_cast %add3A_78 : i32 to index
        %get3A_80 = tpu.vector_load %arg5[%get3A_79] {strides = array<i32>} : memref<49152xf32, #tpu.memory_space<vmem>>, vector<16xf32>,
        %get3A_81 = vector.shape_cast %get3A_80 : vector<16xf32> to vector<16xf32>
        %get3A_82 = arith.index_cast %add3A_78 : i32 to index
        %get3A_83 = tpu.vector_load %arg6[%get3A_82] {strides = array<i32>} : memref<49152xf32, #tpu.memory_space<vmem>>, vector<16xf32>,
        %get3A_84 = vector.shape_cast %get3A_83 : vector<16xf32> to vector<16xf32>
        %add3A_85 = arith.addf %get3A_81, %get3A_84 : vector<16xf32>
        %swap3A_86 = arith.index_cast %add3A_78 : i32 to index
        %swap3A_87 = tpu.vector_load %arg5[%swap3A_86] {strides = array<i32>} : memref<49152xf32, #tpu.memory_space<vmem>>, vector<16xf32>,
        %swap3A_88 = vector.shape_cast %swap3A_87 : vector<16xf32> to vector<16xf32>
        %swap3A_89 = vector.shape_cast %add3A_85 : vector<16xf32> to vector<16xf32>
        tpu.vector_store %arg5[%swap3A_86], %swap3A_89 {strides = array<i32>} : memref<49152xf32, #tpu.memory_space<vmem>>, vector<16xf32>,
        %add3A_90 = arith.constant 80 : i32
        %add3A_91 = arith.addi %mul3A_26, %add3A_90 : i32
        %get3A_92 = arith.index_cast %add3A_91 : i32 to index
        %get3A_93 = tpu.vector_load %arg5[%get3A_92] {strides = array<i32>} : memref<49152xf32, #tpu.memory_space<vmem>>, vector<16xf32>,
        %get3A_94 = vector.shape_cast %get3A_93 : vector<16xf32> to vector<16xf32>
        %get3A_95 = arith.index_cast %add3A_91 : i32 to index
        %get3A_96 = tpu.vector_load %arg6[%get3A_95] {strides = array<i32>} : memref<49152xf32, #tpu.memory_space<vmem>>, vector<16xf32>,
        %get3A_97 = vector.shape_cast %get3A_96 : vector<16xf32> to vector<16xf32>
        %add3A_98 = arith.addf %get3A_94, %get3A_97 : vector<16xf32>
        %swap3A_99 = arith.index_cast %add3A_91 : i32 to index
        %swap3A_100 = tpu.vector_load %arg5[%swap3A_99] {strides = array<i32>} : memref<49152xf32, #tpu.memory_space<vmem>>, vector<16xf32>,
        %swap3A_101 = vector.shape_cast %swap3A_100 : vector<16xf32> to vector<16xf32>
        %swap3A_102 = vector.shape_cast %add3A_98 : vector<16xf32> to vector<16xf32>
        tpu.vector_store %arg5[%swap3A_99], %swap3A_102 {strides = array<i32>} : memref<49152xf32, #tpu.memory_space<vmem>>, vector<16xf32>,
        %add3A_103 = arith.constant 96 : i32
        %add3A_104 = arith.addi %mul3A_26, %add3A_103 : i32
        %get3A_105 = arith.index_cast %add3A_104 : i32 to index
        %get3A_106 = tpu.vector_load %arg5[%get3A_105] {strides = array<i32>} : memref<49152xf32, #tpu.memory_space<vmem>>, vector<16xf32>,
        %get3A_107 = vector.shape_cast %get3A_106 : vector<16xf32> to vector<16xf32>
        %get3A_108 = arith.index_cast %add3A_104 : i32 to index
        %get3A_109 = tpu.vector_load %arg6[%get3A_108] {strides = array<i32>} : memref<49152xf32, #tpu.memory_space<vmem>>, vector<16xf32>,
        %get3A_110 = vector.shape_cast %get3A_109 : vector<16xf32> to vector<16xf32>
        %add3A_111 = arith.addf %get3A_107, %get3A_110 : vector<16xf32>
        %swap3A_112 = arith.index_cast %add3A_104 : i32 to index
        %swap3A_113 = tpu.vector_load %arg5[%swap3A_112] {strides = array<i32>} : memref<49152xf32, #tpu.memory_space<vmem>>, vector<16xf32>,
        %swap3A_114 = vector.shape_cast %swap3A_113 : vector<16xf32> to vector<16xf32>
        %swap3A_115 = vector.shape_cast %add3A_111 : vector<16xf32> to vector<16xf32>
        tpu.vector_store %arg5[%swap3A_112], %swap3A_115 {strides = array<i32>} : memref<49152xf32, #tpu.memory_space<vmem>>, vector<16xf32>,
        %add3A_116 = arith.constant 112 : i32
        %add3A_117 = arith.addi %mul3A_26, %add3A_116 : i32
        %get3A_118 = arith.index_cast %add3A_117 : i32 to index
        %get3A_119 = tpu.vector_load %arg5[%get3A_118] {strides = array<i32>} : memref<49152xf32, #tpu.memory_space<vmem>>, vector<16xf32>,
        %get3A_120 = vector.shape_cast %get3A_119 : vector<16xf32> to vector<16xf32>
        %get3A_121 = arith.index_cast %add3A_117 : i32 to index
        %get3A_122 = tpu.vector_load %arg6[%get3A_121] {strides = array<i32>} : memref<49152xf32, #tpu.memory_space<vmem>>, vector<16xf32>,
        %get3A_123 = vector.shape_cast %get3A_122 : vector<16xf32> to vector<16xf32>
        %add3A_124 = arith.addf %get3A_120, %get3A_123 : vector<16xf32>
        %swap3A_125 = arith.index_cast %add3A_117 : i32 to index
        %swap3A_126 = tpu.vector_load %arg5[%swap3A_125] {strides = array<i32>} : memref<49152xf32, #tpu.memory_space<vmem>>, vector<16xf32>,
        %swap3A_127 = vector.shape_cast %swap3A_126 : vector<16xf32> to vector<16xf32>
        %swap3A_128 = vector.shape_cast %add3A_124 : vector<16xf32> to vector<16xf32>
        tpu.vector_store %arg5[%swap3A_125], %swap3A_128 {strides = array<i32>} : memref<49152xf32, #tpu.memory_space<vmem>>, vector<16xf32>,
        %add3A_129 = arith.constant 128 : i32
        %add3A_130 = arith.addi %mul3A_26, %add3A_129 : i32
        %get3A_131 = arith.index_cast %add3A_130 : i32 to index
        %get3A_132 = tpu.vector_load %arg5[%get3A_131] {strides = array<i32>} : memref<49152xf32, #tpu.memory_space<vmem>>, vector<16xf32>,
        %get3A_133 = vector.shape_cast %get3A_132 : vector<16xf32> to vector<16xf32>
        %get3A_134 = arith.index_cast %add3A_130 : i32 to index
        %get3A_135 = tpu.vector_load %arg6[%get3A_134] {strides = array<i32>} : memref<49152xf32, #tpu.memory_space<vmem>>, vector<16xf32>,
        %get3A_136 = vector.shape_cast %get3A_135 : vector<16xf32> to vector<16xf32>
        %add3A_137 = arith.addf %get3A_133, %get3A_136 : vector<16xf32>
        %swap3A_138 = arith.index_cast %add3A_130 : i32 to index
        %swap3A_139 = tpu.vector_load %arg5[%swap3A_138] {strides = array<i32>} : memref<49152xf32, #tpu.memory_space<vmem>>, vector<16xf32>,
        %swap3A_140 = vector.shape_cast %swap3A_139 : vector<16xf32> to vector<16xf32>
        %swap3A_141 = vector.shape_cast %add3A_137 : vector<16xf32> to vector<16xf32>
        tpu.vector_store %arg5[%swap3A_138], %swap3A_141 {strides = array<i32>} : memref<49152xf32, #tpu.memory_space<vmem>>, vector<16xf32>,
        %add3A_142 = arith.constant 144 : i32
        %add3A_143 = arith.addi %mul3A_26, %add3A_142 : i32
        %get3A_144 = arith.index_cast %add3A_143 : i32 to index
        %get3A_145 = tpu.vector_load %arg5[%get3A_144] {strides = array<i32>} : memref<49152xf32, #tpu.memory_space<vmem>>, vector<16xf32>,
        %get3A_146 = vector.shape_cast %get3A_145 : vector<16xf32> to vector<16xf32>
        %get3A_147 = arith.index_cast %add3A_143 : i32 to index
        %get3A_148 = tpu.vector_load %arg6[%get3A_147] {strides = array<i32>} : memref<49152xf32, #tpu.memory_space<vmem>>, vector<16xf32>,
        %get3A_149 = vector.shape_cast %get3A_148 : vector<16xf32> to vector<16xf32>
        %add3A_150 = arith.addf %get3A_146, %get3A_149 : vector<16xf32>
        %swap3A_151 = arith.index_cast %add3A_143 : i32 to index
        %swap3A_152 = tpu.vector_load %arg5[%swap3A_151] {strides = array<i32>} : memref<49152xf32, #tpu.memory_space<vmem>>, vector<16xf32>,
        %swap3A_153 = vector.shape_cast %swap3A_152 : vector<16xf32> to vector<16xf32>
        %swap3A_154 = vector.shape_cast %add3A_150 : vector<16xf32> to vector<16xf32>
        tpu.vector_store %arg5[%swap3A_151], %swap3A_154 {strides = array<i32>} : memref<49152xf32, #tpu.memory_space<vmem>>, vector<16xf32>,
        %add3A_155 = arith.constant 160 : i32
        %add3A_156 = arith.addi %mul3A_26, %add3A_155 : i32
        %get3A_157 = arith.index_cast %add3A_156 : i32 to index
        %get3A_158 = tpu.vector_load %arg5[%get3A_157] {strides = array<i32>} : memref<49152xf32, #tpu.memory_space<vmem>>, vector<16xf32>,
        %get3A_159 = vector.shape_cast %get3A_158 : vector<16xf32> to vector<16xf32>
        %get3A_160 = arith.index_cast %add3A_156 : i32 to index
        %get3A_161 = tpu.vector_load %arg6[%get3A_160] {strides = array<i32>} : memref<49152xf32, #tpu.memory_space<vmem>>, vector<16xf32>,
        %get3A_162 = vector.shape_cast %get3A_161 : vector<16xf32> to vector<16xf32>
        %add3A_163 = arith.addf %get3A_159, %get3A_162 : vector<16xf32>
        %swap3A_164 = arith.index_cast %add3A_156 : i32 to index
        %swap3A_165 = tpu.vector_load %arg5[%swap3A_164] {strides = array<i32>} : memref<49152xf32, #tpu.memory_space<vmem>>, vector<16xf32>,
        %swap3A_166 = vector.shape_cast %swap3A_165 : vector<16xf32> to vector<16xf32>
        %swap3A_167 = vector.shape_cast %add3A_163 : vector<16xf32> to vector<16xf32>
        tpu.vector_store %arg5[%swap3A_164], %swap3A_167 {strides = array<i32>} : memref<49152xf32, #tpu.memory_space<vmem>>, vector<16xf32>,
        %add3A_168 = arith.constant 176 : i32
        %add3A_169 = arith.addi %mul3A_26, %add3A_168 : i32
        %get3A_170 = arith.index_cast %add3A_169 : i32 to index
        %get3A_171 = tpu.vector_load %arg5[%get3A_170] {strides = array<i32>} : memref<49152xf32, #tpu.memory_space<vmem>>, vector<16xf32>,
        %get3A_172 = vector.shape_cast %get3A_171 : vector<16xf32> to vector<16xf32>
        %get3A_173 = arith.index_cast %add3A_169 : i32 to index
        %get3A_174 = tpu.vector_load %arg6[%get3A_173] {strides = array<i32>} : memref<49152xf32, #tpu.memory_space<vmem>>, vector<16xf32>,
        %get3A_175 = vector.shape_cast %get3A_174 : vector<16xf32> to vector<16xf32>
        %add3A_176 = arith.addf %get3A_172, %get3A_175 : vector<16xf32>
        %swap3A_177 = arith.index_cast %add3A_169 : i32 to index
        %swap3A_178 = tpu.vector_load %arg5[%swap3A_177] {strides = array<i32>} : memref<49152xf32, #tpu.memory_space<vmem>>, vector<16xf32>,
        %swap3A_179 = vector.shape_cast %swap3A_178 : vector<16xf32> to vector<16xf32>
        %swap3A_180 = vector.shape_cast %add3A_176 : vector<16xf32> to vector<16xf32>
        tpu.vector_store %arg5[%swap3A_177], %swap3A_180 {strides = array<i32>} : memref<49152xf32, #tpu.memory_space<vmem>>, vector<16xf32>,
        %add3A_181 = arith.constant 192 : i32
        %add3A_182 = arith.addi %mul3A_26, %add3A_181 : i32
        %get3A_183 = arith.index_cast %add3A_182 : i32 to index
        %get3A_184 = tpu.vector_load %arg5[%get3A_183] {strides = array<i32>} : memref<49152xf32, #tpu.memory_space<vmem>>, vector<16xf32>,
        %get3A_185 = vector.shape_cast %get3A_184 : vector<16xf32> to vector<16xf32>
        %get3A_186 = arith.index_cast %add3A_182 : i32 to index
        %get3A_187 = tpu.vector_load %arg6[%get3A_186] {strides = array<i32>} : memref<49152xf32, #tpu.memory_space<vmem>>, vector<16xf32>,
        %get3A_188 = vector.shape_cast %get3A_187 : vector<16xf32> to vector<16xf32>
        %add3A_189 = arith.addf %get3A_185, %get3A_188 : vector<16xf32>
        %swap3A_190 = arith.index_cast %add3A_182 : i32 to index
        %swap3A_191 = tpu.vector_load %arg5[%swap3A_190] {strides = array<i32>} : memref<49152xf32, #tpu.memory_space<vmem>>, vector<16xf32>,
        %swap3A_192 = vector.shape_cast %swap3A_191 : vector<16xf32> to vector<16xf32>
        %swap3A_193 = vector.shape_cast %add3A_189 : vector<16xf32> to vector<16xf32>
        tpu.vector_store %arg5[%swap3A_190], %swap3A_193 {strides = array<i32>} : memref<49152xf32, #tpu.memory_space<vmem>>, vector<16xf32>,
        %add3A_194 = arith.constant 208 : i32
        %add3A_195 = arith.addi %mul3A_26, %add3A_194 : i32
        %get3A_196 = arith.index_cast %add3A_195 : i32 to index
        %get3A_197 = tpu.vector_load %arg5[%get3A_196] {strides = array<i32>} : memref<49152xf32, #tpu.memory_space<vmem>>, vector<16xf32>,
        %get3A_198 = vector.shape_cast %get3A_197 : vector<16xf32> to vector<16xf32>
        %get3A_199 = arith.index_cast %add3A_195 : i32 to index
        %get3A_200 = tpu.vector_load %arg6[%get3A_199] {strides = array<i32>} : memref<49152xf32, #tpu.memory_space<vmem>>, vector<16xf32>,
        %get3A_201 = vector.shape_cast %get3A_200 : vector<16xf32> to vector<16xf32>
        %add3A_202 = arith.addf %get3A_198, %get3A_201 : vector<16xf32>
        %swap3A_203 = arith.index_cast %add3A_195 : i32 to index
        %swap3A_204 = tpu.vector_load %arg5[%swap3A_203] {strides = array<i32>} : memref<49152xf32, #tpu.memory_space<vmem>>, vector<16xf32>,
        %swap3A_205 = vector.shape_cast %swap3A_204 : vector<16xf32> to vector<16xf32>
        %swap3A_206 = vector.shape_cast %add3A_202 : vector<16xf32> to vector<16xf32>
        tpu.vector_store %arg5[%swap3A_203], %swap3A_206 {strides = array<i32>} : memref<49152xf32, #tpu.memory_space<vmem>>, vector<16xf32>,
        %add3A_207 = arith.constant 224 : i32
        %add3A_208 = arith.addi %mul3A_26, %add3A_207 : i32
        %get3A_209 = arith.index_cast %add3A_208 : i32 to index
        %get3A_210 = tpu.vector_load %arg5[%get3A_209] {strides = array<i32>} : memref<49152xf32, #tpu.memory_space<vmem>>, vector<16xf32>,
        %get3A_211 = vector.shape_cast %get3A_210 : vector<16xf32> to vector<16xf32>
        %get3A_212 = arith.index_cast %add3A_208 : i32 to index
        %get3A_213 = tpu.vector_load %arg6[%get3A_212] {strides = array<i32>} : memref<49152xf32, #tpu.memory_space<vmem>>, vector<16xf32>,
        %get3A_214 = vector.shape_cast %get3A_213 : vector<16xf32> to vector<16xf32>
        %add3A_215 = arith.addf %get3A_211, %get3A_214 : vector<16xf32>
        %swap3A_216 = arith.index_cast %add3A_208 : i32 to index
        %swap3A_217 = tpu.vector_load %arg5[%swap3A_216] {strides = array<i32>} : memref<49152xf32, #tpu.memory_space<vmem>>, vector<16xf32>,
        %swap3A_218 = vector.shape_cast %swap3A_217 : vector<16xf32> to vector<16xf32>
        %swap3A_219 = vector.shape_cast %add3A_215 : vector<16xf32> to vector<16xf32>
        tpu.vector_store %arg5[%swap3A_216], %swap3A_219 {strides = array<i32>} : memref<49152xf32, #tpu.memory_space<vmem>>, vector<16xf32>,
        %add3A_220 = arith.constant 240 : i32
        %add3A_221 = arith.addi %mul3A_26, %add3A_220 : i32
        %get3A_222 = arith.index_cast %add3A_221 : i32 to index
        %get3A_223 = tpu.vector_load %arg5[%get3A_222] {strides = array<i32>} : memref<49152xf32, #tpu.memory_space<vmem>>, vector<16xf32>,
        %get3A_224 = vector.shape_cast %get3A_223 : vector<16xf32> to vector<16xf32>
        %get3A_225 = arith.index_cast %add3A_221 : i32 to index
        %get3A_226 = tpu.vector_load %arg6[%get3A_225] {strides = array<i32>} : memref<49152xf32, #tpu.memory_space<vmem>>, vector<16xf32>,
        %get3A_227 = vector.shape_cast %get3A_226 : vector<16xf32> to vector<16xf32>
        %add3A_228 = arith.addf %get3A_224, %get3A_227 : vector<16xf32>
        %swap3A_229 = arith.index_cast %add3A_221 : i32 to index
        %swap3A_230 = tpu.vector_load %arg5[%swap3A_229] {strides = array<i32>} : memref<49152xf32, #tpu.memory_space<vmem>>, vector<16xf32>,
        %swap3A_231 = vector.shape_cast %swap3A_230 : vector<16xf32> to vector<16xf32>
        %swap3A_232 = vector.shape_cast %add3A_228 : vector<16xf32> to vector<16xf32>
        tpu.vector_store %arg5[%swap3A_229], %swap3A_232 {strides = array<i32>} : memref<49152xf32, #tpu.memory_space<vmem>>, vector<16xf32>,
      }
      %scan3A_23 = arith.constant 192 : i32
      "tpu.region"() ({
        %run_scoped3A = tpu.sem_alloc : memref<!tpu.dma_semaphore, #tpu.memory_space<semaphore_mem>>
        %dma_start3A = tpu.memref_slice %arg4[%mul3A_13] : memref<6291456xf32, #tpu.memory_space<hbm>> -> memref<49152xf32, #tpu.memory_space<hbm>>
        %dma_start3A_24 = tpu.memref_slice %arg4[%mul3A_13] : memref<6291456xf32, #tpu.memory_space<hbm>> -> memref<49152xf32, #tpu.memory_space<hbm>>
        tpu.enqueue_dma source(%arg5 : memref<49152xf32, #tpu.memory_space<vmem>>) target(%dma_start3A_24 : memref<49152xf32, #tpu.memory_space<hbm>>) target_semaphore(%run_scoped3A : memref<!tpu.dma_semaphore, #tpu.memory_space<semaphore_mem>>)
        %dma_wait3A = tpu.memref_slice %arg4[%mul3A_13] : memref<6291456xf32, #tpu.memory_space<hbm>> -> memref<49152xf32, #tpu.memory_space<hbm>>
        %dma_wait3A_25 = tpu.memref_slice %arg4[%mul3A_13] : memref<6291456xf32, #tpu.memory_space<hbm>> -> memref<49152xf32, #tpu.memory_space<hbm>>
        tpu.wait_dma2 semaphore(%run_scoped3A : memref<!tpu.dma_semaphore, #tpu.memory_space<semaphore_mem>>) src(%arg5 : memref<49152xf32, #tpu.memory_space<vmem>>) dst(%dma_wait3A_25 : memref<49152xf32, #tpu.memory_space<hbm>>)
        tpu.yield
      }) : () -> ()
    }
    %scan3A_7 = arith.constant 4 : i32
    return
  }
}

</mosaic_0001>

<sc_bundles>
// kernel: kernel.3.cloned.1.call-start
scs
__scs_entry_jumppad:
0x0: {  	(pc) =	sbr.rel $0x88, $3  }
0x1: {  	(tag) =	ssettag $0x0;
	lr =	simm.s32 $0x1  }
0x2: {  	[smem:$0x3F9F] =	sst lr;
	_ =	strace $0xD0000000  }
0x3: {  	_ = 	snop  }
0x4: {  	_ = 	snop  }
0x5: {  	_ = 	snop  }
0x6: {  	_ = 	snop  }
0x7: {  	_ = 	snop  }
__scs_overlays_trampoline_lowered:
0x8: {  	[smem:$0x3FAE] =	sst s0  }
0x9: {  	[smem:$0x3FAF] =	sst s1  }
0xa: {  	[smem:$0x3FB0] =	sst s2  }
0xb: {  	[smem:$0x3FB1] =	sst s3  }
0xc: {  	[smem:$0x3FB2] =	sst s4  }
0xd: {  	[smem:$0x3FB3] =	sst s5  }
0xe: {  	[smem:$0x3FB4] =	sst s6  }
0xf: {  	[smem:$0x3FB5] =	sst s7  }
0x10: {  	[smem:$0x3FB6] =	sst s8  }
0x11: {  	[smem:$0x3FB7] =	sst s9;
	s0 =	simm.s32 @!p0 $0x0  }
0x12: {  	s1 =	sld [smem:$0x3F9D];
	s0 =	simm.s32 @p0 $0x1  }
0x13: {  	[smem:$0x3FB8] =	sst s0;
	s0 =	simm.s32 @!p1 $0x0  }
0x14: {  	s2 =	sld [smem:$0x3F9C];
	s0 =	simm.s32 @p1 $0x1  }
0x15: {  	[smem:$0x3FB9] =	sst s0;
	s0 =	simm.s32 @!p2 $0x0  }
0x16: {  	s3 =	sld [smem:$0x3FDB];
	s0 =	simm.s32 @p2 $0x1  }
0x17: {  	s4 =	simm.s32 $0x1BF5;
	[smem:$0x3FBB] =	sst s0  }
0x18: {  	s0 =	sld [smem:$0x3F9E];
	_ =	swait.ge [sflag:s4], $0x0  }
0x19: {  	s7 =	sld [smem:$0x3F9F]  }
0x1a: {  	s8 =	sadd.s32 $0xFFFFE003, lr  }
0x1b: {  	s9 =	sadd.s32 $0xFFFFFEF7, lr;
	s5 =	simm.s32 $0xFFFFFFFF;
	p2 =	slt.u32 s8, $0xFFFFF086  }
0x1c: {  	p1 =	slt.u32 s9, $0xF7A;
	s5 =	simm.s32 @!p2 $0x0  }
0x1d: {  	s5 =	simm.s32 @p1 $0x1;
	p0 =	seq.s32 s7, s2  }
0x1e: {  	s7 =	smul.u32 @!p0 $0xF7A, s2;
	p2 =	seq.s32 @!p0 s5, $0x0  }
0x1f: {  	s9 =	smul.u32 $0xF7A, s1;
	s8 =	simm.s32 @!p0 $0x1BF5;
	p2 =	por !p2, p0  }
0x20: {  	[sflag:s8] =	ssyncset.s32 @!p0 $0xFFFFF086;
	s6 =	sadd.s32 @!p0 s3, s7;
	s7 =	simm.s32 @!p0 $0x108  }
0x21: {  	s3 =	sadd.s32 s3, s9;
	s6 =	sadd.s32 @!p0 $0x88, s6;
	s7 =	simm.s32 @p2 $0x1082  }
0x22: {  	[simem:s7], [sflag:s8] =	dma.local @!p0 [hbm:s6], $0xF7A  }
0x23: {  	s9 =	sor.u32 $0xD0000000, s2;
	s6 =	simm.s32 $0x108;
	_ =	swait.ge @!p0 [sflag:s8], $0x0  }
0x24: {  	s3 =	sadd.s32 $0x88, s3;
	s6 =	simm.s32 @!p1 $0x1082;
	[sflag:s4] =	ssyncset.s32 $0xFFFFF086  }
0x25: {  	[simem:s6], [sflag:s4] =	dma.local [hbm:s3], $0xF7A  }
0x26: {  	[smem:$0x3F9F] =	sst s1;
	(tag) =	ssettag s2;
	_ =	strace s9  }
0x27: {  	s1 =	sld [smem:$0x3FAF]  }
0x28: {  	s2 =	sld [smem:$0x3FB0]  }
0x29: {  	s4 =	sld [smem:$0x3FB2]  }
0x2a: {  	p0 =	seq.s32 s5, $0x0;
	s5 =	sld [smem:$0x3FB3]  }
0x2b: {  	s6 =	sld [smem:$0x3FB4]  }
0x2c: {  	s7 =	sld [smem:$0x3FB5]  }
0x2d: {  	s3 =	simm.s32 $0x108;
	s8 =	sld [smem:$0x3FB6]  }
0x2e: {  	s3 =	simm.s32 @!p0 $0x1082;
	s9 =	sld [smem:$0x3FB7]  }
0x2f: {  	lr =	sadd.s32 s0, s3;
	s0 =	sld [smem:$0x3FAE]  }
0x30: {  	s3 =	sld [smem:$0x3FB1]  }
0x31: {  	[smem:$0x3FBA] =	sst s10  }
0x32: {  	s10 =	sld [smem:$0x3FB8];
	_ =	sdelay $0x3  }
0x33: {  	p0 =	seq.s32 s10, $0x1;
	s10 =	sld [smem:$0x3FBA];
	_ =	sdelay $0x3  }
0x34: {  	[smem:$0x3FBA] =	sst s10  }
0x35: {  	s10 =	sld [smem:$0x3FB9];
	_ =	sdelay $0x3  }
0x36: {  	p1 =	seq.s32 s10, $0x1;
	s10 =	sld [smem:$0x3FBA];
	_ =	sdelay $0x3  }
0x37: {  	[smem:$0x3FBA] =	sst s10  }
0x38: {  	s10 =	sld [smem:$0x3FBB]  }
0x39: {  	_ = 	snop;
	(pc) =	sbr.ind lr, $3  }
0x3a: {  	_ = 	snop  }
0x3b: {  	_ = 	snop  }
0x3c: {  	p2 =	seq.s32 s10, $0x1;
	s10 =	sld [smem:$0x3FBA]  }
0x3d: {  	_ =	shalt  }
0x3e: {  	_ =	shalt  }
0x3f: {  	_ =	shalt  }
0x40: {  	_ =	shalt  }
0x41: {  	_ =	shalt  }
0x42: {  	_ =	shalt  }
0x43: {  	_ =	shalt  }
0x44: {  	_ =	shalt  }
0x45: {  	_ =	shalt  }
0x46: {  	_ =	shalt  }
0x47: {  	_ =	shalt  }
0x48: {  	_ =	shalt  }
0x49: {  	_ =	shalt  }
0x4a: {  	_ =	shalt  }
0x4b: {  	_ =	shalt  }
0x4c: {  	_ =	shalt  }
0x4d: {  	_ =	shalt  }
0x4e: {  	_ =	shalt  }
0x4f: {  	_ =	shalt  }
0x50: {  	_ =	shalt  }
0x51: {  	_ =	shalt  }
0x52: {  	_ =	shalt  }
0x53: {  	_ =	shalt  }
0x54: {  	_ =	shalt  }
0x55: {  	_ =	shalt  }
0x56: {  	_ =	shalt  }
0x57: {  	_ =	shalt  }
0x58: {  	_ =	shalt  }
0x59: {  	_ =	shalt  }
0x5a: {  	_ =	shalt  }
0x5b: {  	_ =	shalt  }
0x5c: {  	_ =	shalt  }
0x5d: {  	_ =	shalt  }
0x5e: {  	_ =	shalt  }
0x5f: {  	_ =	shalt  }
0x60: {  	_ =	shalt  }
0x61: {  	_ =	shalt  }
0x62: {  	_ =	shalt  }
0x63: {  	_ =	shalt  }
0x64: {  	_ =	shalt  }
0x65: {  	_ =	shalt  }
0x66: {  	_ =	shalt  }
0x67: {  	_ =	shalt  }
0x68: {  	_ =	shalt  }
0x69: {  	_ =	shalt  }
0x6a: {  	_ =	shalt  }
0x6b: {  	_ =	shalt  }
0x6c: {  	_ =	shalt  }
0x6d: {  	_ =	shalt  }
0x6e: {  	_ =	shalt  }
0x6f: {  	_ =	shalt  }
0x70: {  	_ =	shalt  }
0x71: {  	_ =	shalt  }
0x72: {  	_ =	shalt  }
0x73: {  	_ =	shalt  }
0x74: {  	_ =	shalt  }
0x75: {  	_ =	shalt  }
0x76: {  	_ =	shalt  }
0x77: {  	_ =	shalt  }
0x78: {  	_ =	shalt  }
0x79: {  	_ =	shalt  }
0x7a: {  	_ =	shalt  }
0x7b: {  	_ =	shalt  }
0x7c: {  	_ =	shalt  }
0x7d: {  	_ =	shalt  }
0x7e: {  	_ =	shalt  }
0x7f: {  	_ =	shalt  }
0x80: {  	_ =	shalt  }
0x81: {  	_ =	shalt  }
0x82: {  	_ =	shalt  }
0x83: {  	_ =	shalt  }
0x84: {  	_ =	shalt  }
0x85: {  	_ =	shalt  }
0x86: {  	_ =	shalt  }
0x87: {  	_ =	shalt  }
.Lfunc_end0:
.L_simem_size_0:
called_computation_lowered:
.L_overlay_start_0:
0x88: {  	s2 =	sld [smem:$0x3FD9]  }
0x89: {  	s3 =	sld [smem:$0x3FFE];
	_ =	sdelay $0x1  }
0x8a: {  	s1 =	srdreg.scid  }
0x8b: {  	s0 =	sand.u32 $0x1, s1  }
0x8c: {  	s17 =	sshll.u32 s0, $0xA;
	s2 =	sadd.s32 s3, s2  }
0x8d: {  	s2 =	sadd.s32 s2, s17  }
0x8e: {  	[smem:$0x3FC6] =	sst s2  }
0x8f: {  	_ = 	snop  }
0x90: {  	s2 =	sld [smem:$0x3FD0];
	(tm) =	ssettm $0x1  }
0x91: {  	s18 =	sld [smem:$0x3FFB];
	_ =	sdelay $0x3  }
0x92: {  	_ =	strace s18  }
0x93: {  	s3 =	sld [smem:$0x3FFC];
	_ =	sdelay $0x3  }
0x94: {  	_ =	strace s3  }
0x95: {  	s3 =	sld [smem:$0x3FFD];
	_ =	sdelay $0x3  }
0x96: {  	_ =	strace s3  }
0x97: {  	_ =	strace $0x8FFFFFFF  }
0x98: {  	s19 =	sld [smem:$0x3FDB];
	_ =	sdelay $0x1  }
0x99: {  	s4 =	simm.s32 $_scs_section_size  }
0x9a: {  	s5 =	simm.s32 $_size__tile_overlayer_lowered;
	s6 =	simm.s32 $_tile_overlayer_lowered  }
0x9b: {  	s22 =	simm.s32 $0x1BFF;
	s21 =	sshll.u32 s6, $0x1;
	s3 =	sadd.s32 s4, s19  }
0x9c: {  	s7 =	simm.s32 $0x0;
	s20 =	sshll.u32 s5, $0x1;
	s5 =	sadd.s32 s21, s3  }
0x9d: {  	[timem:s7], [sflag:s22] =	dma.local [hbm:s5], s20  }
0x9e: {  	_ =	swait.ge [sflag:s22], s20  }
0x9f: {  	s4 =	ssub.s32 $0x0, s20;
	[sflag:s22] =	ssyncset.done $0x0  }
0xa0: {  	[sflag:s22] =	ssyncadd.s32 s4;
	_ =	sdelay $0x1  }
0xa1: {  	s23 =	simm.s32 $0x1B8B  }
0xa2: {  	_ =	swait.ge [sflag:s23], $0x1  }
0xa3: {  	[sflag:s23] =	ssyncset.done $0x0  }
0xa4: {  	s25 =	simm.s32 $0x1B8E;
	s24 =	sld [smem:$0x3FFE];
	[sflag:s23] =	ssyncadd.s32 $0xFFFFFFFF  }
0xa5: {  	s26 =	simm.s32 $execute0_lowered;
	[smem:$0x3FD2] =	sst s25  }
0xa6: {  	s5 =	sshll.u32 s26, $0x1;
	_ =	strace $0x80000046;
	[dreg:$0x1] =	wrdreg $0xFFFFFFFF  }
0xa7: {  	s28 =	simm.s32 $_size_execute0_lowered;
	s3 =	sadd.s32 s3, s5;
	[dreg:$0x0] =	wrdreg $0x0  }
0xa8: {  	s5 =	sshll.u32 s28, $0x1;
	[dreg:$0x2] =	wrdreg s3  }
0xa9: {  	[dreg:$0x3] =	wrdreg s5  }
0xaa: {  	[dreg:$0x4] =	wrdreg $0xC0  }
0xab: {  	_ =	task [dreg:s7], $0x5FFFF  }
0xac: {  	[dreg:$0x1] =	wrdreg $0xFFFFFFFF  }
0xad: {  	[dreg:$0x0] =	wrdreg $0x60  }
0xae: {  	[dreg:$0x2] =	wrdreg s2  }
0xaf: {  	[dreg:$0x3] =	wrdreg s24  }
0xb0: {  	[dreg:$0x4] =	wrdreg $0x9  }
0xb1: {  	_ =	task.clear_ibuf [dreg:s7], $0x5FFFF;
	_ =	strace $0x90000046  }
0xb2: {  	s29 =	simm.s32 $0x9;
	_ =	strace $0x80000048  }
0xb3: {  	_ =	swait.ge [sflag:s29], $0x1  }
0xb4: {  	[sflag:s29] =	ssyncadd.s32 $0xFFFFFFFF  }
0xb5: {  	_ =	strace $0x90000048  }
0xb6: {  	_ =	sfence  }
0xb7: {  	s30 =	sld [smem:$0x0];
	_ =	sdelay $0x2  }
0xb8: {  	s31 =	sshll.u32 s1, $0xD;
	s1 =	sshrl.u32 s1, $0x2  }
0xb9: {  	s3 =	sand.u32 $0x4000, s31;
	s1 =	sadd.s32 s1, s30  }
0xba: {  	s0 =	sor.u32 s3, s0;
	s1 =	sshll.u32 s1, $0x11  }
0xbb: {  	s0 =	sor.u32 s1, s0  }
0xbc: {  	s0 =	sadd.s32 $0x8F2B, s0  }
0xbd: {  	[sflag:s0] =	ssyncadd.remote.s32 $0x1  }
0xbe: {  	_ =	sfence.sel $0xFFFF  }
0xbf: {  	[dreg:$0x0] =	wrdreg $0xFFFFFFFF;
	(pc) =	sbr.abs _section_cstart, $3  }
0xc0: {  	[dreg:$0x1] =	wrdreg $0xFFFFFFFF  }
0xc1: {  	_ =	task.clear_ibuf [dreg:s7], $0x2FFFF;
	_ =	strace $0x9FFFFFFF  }
0xc2: {  	(tm) =	ssettm $0x7FFFFFFF  }
0xc3: {  	_ =	shalt  }
tec
execute0_lowered:
.L_overlay_start_1:
0x0: {  	(tag) =	ssettag $0x1  }
0x1: {  	s1 =	rddreg [dreg:$0x0]  }
0x2: {  	s6 =	rddreg [dreg:$0x1]  }
0x3: {  	s0 =	rddreg [dreg:$0x2];
	s2 =	simm.s32 $0x0  }
0x4: {  	s3 =	srdreg.scid;
	s11 =	simm.s32 $0x0;
	[smem:$0x7FF] =	sst s2  }
0x5: {  	s4 =	sand.u32 $0x1, s3;
	s3 =	stileid.u32;
	_ =	strace $0x80000047  }
0x6: {  	s5 =	ssub.s32 $0x2, s4;
	s8 =	sshll.u32 s3, $0x9;
	s9 =	sshll.u32 s4, $0x8  }
0x7: {  	s4 =	sadd.s32 $0x400, s6;
	s6 =	sadd.s32 $0x30400, s6;
	s7 =	sshrl.u32 s5, $0x1  }
0x8: {  	s10 =	ssub.s32 s5, s7;
	s5 =	sor.u32 s9, s8;
	s9 =	simm.s32 $0x1  }
0x9: {  	s7 =	sand.u32 $0x700, s5;
	s8 =	smax.u32 s10, $0x1;
	s10 =	simm.s32 $0xC000  }
.LBB2_1:
0xa: {  	s12 =	simm.s32 $0x0  }
.LBB2_2:
0xb: {  	s14 =	sshll.u32 s12, $0x6  }
0xc: {  	s13 =	sor.u32 s5, s14  }
0xd: {  	s13 =	smul.u32 $0x60, s13;
	_ =	sdelay $0x1  }
0xe: {  	s16 =	simm.s32 $0x0;
	s14 =	sadd.s32 s7, s14;
	s15 =	sadd.s32 s1, s13  }
0xf: {  	[tilespmem:s16], [sflag:$0x1] =	stream.linear.gather [hbm4b:s15+s16], $0xC000, $0x38;
	[tilespmem:$0x18000] =	vst v63  }
0x10: {  	s14 =	smul.u32 $0x60, s14;
	_ =	swait.ge [sflag:s9], $0xC000  }
0x11: {  	[sflag:s9] =	ssyncset.done $0x0  }
0x12: {  	s14 =	sadd.s32 s4, s14;
	[sflag:s9] =	ssyncadd.s32 $0xFFFF4000  }
0x13: {  	[tilespmem:s10], [sflag:$0x1] =	stream.linear.gather [hbm4b:s14+s16], $0xC000, $0x38;
	[tilespmem:$0x18000] =	vst v63  }
0x14: {  	_ =	swait.ge [sflag:s9], $0xC000  }
0x15: {  	[sflag:s9] =	ssyncset.done $0x0  }
0x16: {  	s14 =	simm.s32 $0x0;
	[sflag:s9] =	ssyncadd.s32 $0xFFFF4000  }
0x17: {  	v6 =	vld [tilespmem:s14+$0xC000]  }
0x18: {  	v7 =	vld [tilespmem:s14+$0xC010]  }
0x19: {  	v8 =	vld [tilespmem:s14+$0xC020]  }
0x1a: {  	v9 =	vld [tilespmem:s14+$0xC030]  }
0x1b: {  	v10 =	vld [tilespmem:s14+$0xC040]  }
0x1c: {  	v11 =	vld [tilespmem:s14+$0xC050]  }
0x1d: {  	v12 =	vld [tilespmem:s14+$0xC060]  }
0x1e: {  	v13 =	vld [tilespmem:s14+$0xC070]  }
0x1f: {  	v14 =	vld [tilespmem:s14+$0xC080]  }
0x20: {  	v15 =	vld [tilespmem:s14+$0xC090]  }
0x21: {  	v5 =	vld [tilespmem:s14+$0xC0A0]  }
0x22: {  	v4 =	vld [tilespmem:s14+$0xC0B0]  }
0x23: {  	v3 =	vld [tilespmem:s14+$0xC0C0]  }
0x24: {  	v2 =	vld [tilespmem:s14+$0xC0D0]  }
0x25: {  	v1 =	vld [tilespmem:s14+$0xC0E0]  }
0x26: {  	v0 =	vld [tilespmem:s14+$0xC0F0]  }
0x27: {  	v16 =	vld [tilespmem:s14+$0x0]  }
0x28: {  	v17 =	vld [tilespmem:s14+$0x10]  }
0x29: {  	v18 =	vld [tilespmem:s14+$0x20]  }
0x2a: {  	v19 =	vld [tilespmem:s14+$0x30]  }
0x2b: {  	v20 =	vld [tilespmem:s14+$0x40]  }
0x2c: {  	v60 =	vld [tilespmem:s14+$0x50];
	v6 =	vadd.f32 v6, v16  }
0x2d: {  	v21 =	vld [tilespmem:s14+$0x60];
	v7 =	vadd.f32 v7, v17  }
0x2e: {  	v61 =	vld [tilespmem:s14+$0x70];
	[tilespmem:s14+$0x0] =	vst v6;
	v6 =	vadd.f32 v8, v18  }
0x2f: {  	v62 =	vld [tilespmem:s14+$0x80];
	[tilespmem:s14+$0x10] =	vst v7;
	v7 =	vadd.f32 v9, v19  }
0x30: {  	v63 =	vld [tilespmem:s14+$0x90];
	[tilespmem:s14+$0x20] =	vst v6;
	v6 =	vadd.f32 v10, v20  }
0x31: {  	v8 =	vadd.f32 v11, v60;
	[tilespmem:s14+$0x30] =	vst v7;
	v7 =	vld [tilespmem:s14+$0xA0]  }
0x32: {  	v9 =	vadd.f32 v12, v21;
	[tilespmem:s14+$0x40] =	vst v6;
	v6 =	vld [tilespmem:s14+$0xB0]  }
0x33: {  	[tilespmem:s14+$0x50] =	vst v8;
	v8 =	vld [tilespmem:s14+$0xC0];
	v10 =	vadd.f32 v13, v61  }
0x34: {  	v12 =	vadd.f32 v14, v62;
	[tilespmem:s14+$0x60] =	vst v9;
	v9 =	vld [tilespmem:s14+$0xD0]  }
0x35: {  	s15 =	simm.s32 $0x400;
	v11 =	vadd.f32 v15, v63;
	[tilespmem:s14+$0x70] =	vst v10;
	v10 =	vld [tilespmem:s14+$0xE0]  }
.LBB2_3:
0x36: {  	s16 =	sshra.s32 s15, $0x2;
	p0 =	sne.s32 s15, $0x2FC00;
	[tilespmem:s14+$0x80] =	vst v12;
	v5 =	vadd.f32 v5, v7;
	v7 =	vld [tilespmem:s14+$0xF0]  }
0x37: {  	v12 =	vld [tilespmem:s16+$0xC000];
	[tilespmem:s14+$0x90] =	vst v11;
	v4 =	vadd.f32 v4, v6  }
0x38: {  	v6 =	vld [tilespmem:s16+$0xC010];
	[tilespmem:s14+$0xA0] =	vst v5;
	v3 =	vadd.f32 v3, v8  }
0x39: {  	v8 =	vld [tilespmem:s16+$0xC020];
	[tilespmem:s14+$0xB0] =	vst v4;
	v2 =	vadd.f32 v2, v9  }
0x3a: {  	v9 =	vld [tilespmem:s16+$0xC030];
	[tilespmem:s14+$0xC0] =	vst v3;
	v1 =	vadd.f32 v1, v10  }
0x3b: {  	v10 =	vld [tilespmem:s16+$0xC040];
	[tilespmem:s14+$0xD0] =	vst v2;
	v0 =	vadd.f32 v0, v7  }
0x3c: {  	v7 =	vld [tilespmem:s16+$0xC050];
	[tilespmem:s14+$0xE0] =	vst v1  }
0x3d: {  	v11 =	vld [tilespmem:s16+$0xC060];
	[tilespmem:s14+$0xF0] =	vst v0;
	s14 =	smov.u32 s16  }
0x3e: {  	v13 =	vld [tilespmem:s14+$0xC070]  }
0x3f: {  	v14 =	vld [tilespmem:s14+$0xC080]  }
0x40: {  	v15 =	vld [tilespmem:s14+$0xC090]  }
0x41: {  	v5 =	vld [tilespmem:s14+$0xC0A0]  }
0x42: {  	v4 =	vld [tilespmem:s14+$0xC0B0]  }
0x43: {  	v3 =	vld [tilespmem:s14+$0xC0C0]  }
0x44: {  	v2 =	vld [tilespmem:s14+$0xC0D0]  }
0x45: {  	v1 =	vld [tilespmem:s14+$0xC0E0]  }
0x46: {  	v0 =	vld [tilespmem:s14+$0xC0F0]  }
0x47: {  	v16 =	vld [tilespmem:s14+$0x0]  }
0x48: {  	v17 =	vld [tilespmem:s14+$0x10]  }
0x49: {  	v18 =	vld [tilespmem:s14+$0x20]  }
0x4a: {  	v19 =	vld [tilespmem:s14+$0x30]  }
0x4b: {  	v20 =	vld [tilespmem:s14+$0x40]  }
0x4c: {  	v12 =	vadd.f32 v12, v16;
	v16 =	vld [tilespmem:s14+$0x50]  }
0x4d: {  	v6 =	vadd.f32 v6, v17;
	v17 =	vld [tilespmem:s14+$0x60]  }
0x4e: {  	[tilespmem:s14+$0x0] =	vst v12;
	v8 =	vadd.f32 v8, v18;
	v12 =	vld [tilespmem:s14+$0x70]  }
0x4f: {  	[tilespmem:s14+$0x10] =	vst v6;
	v6 =	vadd.f32 v9, v19;
	v9 =	vld [tilespmem:s14+$0x80]  }
0x50: {  	[tilespmem:s14+$0x20] =	vst v8;
	v8 =	vadd.f32 v10, v20;
	v10 =	vld [tilespmem:s14+$0x90]  }
.Ltmp0:
0x51: {  	[tilespmem:s14+$0x30] =	vst v6;
	v16 =	vadd.f32 v7, v16;
	v7 =	vld [tilespmem:s14+$0xA0];
	(pc) =	sbr.rel @p0 .LBB2_3-.Ltmp0, $4  }
0x52: {  	[tilespmem:s14+$0x40] =	vst v8;
	v11 =	vadd.f32 v11, v17;
	v6 =	vld [tilespmem:s14+$0xB0]  }
0x53: {  	[tilespmem:s14+$0x50] =	vst v16;
	v13 =	vadd.f32 v13, v12;
	v8 =	vld [tilespmem:s14+$0xC0]  }
0x54: {  	[tilespmem:s14+$0x60] =	vst v11;
	v12 =	vadd.f32 v14, v9;
	v9 =	vld [tilespmem:s14+$0xD0]  }
0x55: {  	s15 =	sadd.s32 $0x400, s15;
	[tilespmem:s14+$0x70] =	vst v13;
	v11 =	vadd.f32 v15, v10;
	v10 =	vld [tilespmem:s14+$0xE0]  }
0x56: {  	[tilespmem:s14+$0x80] =	vst v12;
	v5 =	vadd.f32 v5, v7;
	v63 =	vld [tilespmem:s14+$0xF0]  }
0x57: {  	[tilespmem:s14+$0x90] =	vst v11;
	v4 =	vadd.f32 v4, v6  }
0x58: {  	[tilespmem:s14+$0xA0] =	vst v5;
	v3 =	vadd.f32 v3, v8  }
0x59: {  	[tilespmem:s14+$0xB0] =	vst v4;
	v2 =	vadd.f32 v2, v9  }
0x5a: {  	[tilespmem:s14+$0xC0] =	vst v3;
	v1 =	vadd.f32 v1, v10  }
0x5b: {  	s12 =	sadd.s32 $0x1, s12;
	[tilespmem:s14+$0xD0] =	vst v2;
	v0 =	vadd.f32 v0, v63  }
0x5c: {  	p0 =	sne.s32 s12, $0x4;
	[tilespmem:s14+$0xE0] =	vst v1  }
.Ltmp1:
0x5d: {  	s13 =	sadd.s32 s6, s13;
	[tilespmem:s14+$0xF0] =	vst v0;
	(pc) =	sbr.rel @p0 .LBB2_2-.Ltmp1, $4  }
0x5e: {  	[hbm4b:s13+s2] =	stream.linear.scatter [tilespmem:s2], [sflag:$0x1], $0xC000, $0x38;
	[tilespmem:$0x18000] =	vst v63  }
0x5f: {  	_ =	swait.ge [sflag:s9], $0xC000  }
0x60: {  	[sflag:s9] =	ssyncset.done $0x0  }
0x61: {  	[sflag:s9] =	ssyncadd.s32 $0xFFFF4000  }
0x62: {  	s11 =	sadd.s32 $0x1, s11  }
0x63: {  	p0 =	sne.s32 s11, s8  }
.Ltmp2:
0x64: {  	_ = 	snop;
	(pc) =	sbr.rel @p0 .LBB2_1-.Ltmp2, $1  }
0x65: {  	_ =	sdelay $0x3  }
0x66: {  	_ =	sfence.sel $0x180000  }
0x67: {  	[bflag:$0x0] =	sbarrier.arrive $0xFFFF  }
0x68: {  	p0 =	sne.s32 s3, $0x0;
	_ =	strace $0x90000047  }
0x69: {  	s0 =	sadd.s32 @!p0 $0x100000, s0;
	[bflag:$0x2] =	sbarrier.arrive $0xFFFF  }
0x6a: {  	[sflag:s0] =	ssyncadd.tile.s32 @!p0 $0x1;
	_ =	shalt  }
.Lfunc_end2:
_tile_overlayer_lowered:
.L_overlay_start_2:
0x6b: {  	(tag) =	ssettag $0x2  }
0x6c: {  	s0 =	rddreg [dreg:$0x0];
	s2 =	stileid.u32  }
0x6d: {  	s1 =	rddreg [dreg:$0x1];
	p0 =	sne.s32 s2, $0x0  }
0x6e: {  	s3 =	rddreg [dreg:$0x2];
	[bflag:$0x3] =	sbarrier.arrive $0xFFFF;
	s2 =	simm.s32 @!p0 $0x1C01  }
0x6f: {  	[timem:s3], [sflag:s2] =	dma.local @!p0 [hbm:s0], s1  }
0x70: {  	s0 =	simm.s32 @!p0 $0x1  }
0x71: {  	_ =	swait.ge @!p0 [sflag:s0], s1  }
0x72: {  	s1 =	ssub.s32 @!p0 $0x0, s1;
	[sflag:s0] =	ssyncset.done @!p0 $0x0  }
0x73: {  	[sflag:s0] =	ssyncadd.s32 @!p0 s1  }
0x74: {  	[bflag:$0x3] =	sbarrier.arrive $0xFFFF  }
0x75: {  	_ =	shalt  }

</sc_bundles>
